<compile_context>
chip_gen: v7x
topology: tpu7x:2x2x1
jax: 0.10.2.dev20260603
libtpu: 0.0.44.dev20260713+nightly
codegen_flags: <defaults>
</compile_context>

<pallas_src>
import functools

import jax
import jax.numpy as jnp
from jax import lax
from jax.experimental import pallas as pl
from jax.experimental.pallas import tpu as pltpu
from jax.experimental.pallas import tpu_sc as plsc

B = 16384
V = 1000000
D = 16
F = 16
L1 = 64
L2 = 32

NC = 2
NS = 16
NW = NC * NS
BPW = B // NW


def _sc_gather(mtab, mfeat, rtab, rfeat, idx_u, idx_v):
    mesh = plsc.VectorSubcoreMesh(core_axis_name="c", subcore_axis_name="s")

    @functools.partial(
        pl.kernel,
        mesh=mesh,
        compiler_params=pltpu.CompilerParams(use_tc_tiling_on_sc=False),
        out_type=[jax.ShapeDtypeStruct((B, D), jnp.float32)] * 4,
        scratch_types=[
            pltpu.VMEM((BPW,), jnp.int32),
            pltpu.VMEM((BPW,), jnp.int32),
            pltpu.VMEM((BPW, D), jnp.float32),
            pltpu.VMEM((BPW, D), jnp.float32),
            pltpu.VMEM((BPW, D), jnp.float32),
            pltpu.VMEM((BPW, D), jnp.float32),
            pltpu.SemaphoreType.DMA,
        ],
    )
    def k(mtab_h, mfeat_h, rtab_h, rfeat_h, iu_h, iv_h,
          eu_h, fu_h, ev_h, fv_h,
          iu, iv, eu, fu, ev, fv, sem):
        wid = lax.axis_index("s") * NC + lax.axis_index("c")
        base = wid * BPW
        pltpu.sync_copy(iu_h.at[pl.ds(base, BPW)], iu)
        pltpu.sync_copy(iv_h.at[pl.ds(base, BPW)], iv)
        c1 = pltpu.async_copy(mtab_h.at[iu], eu, sem)
        c2 = pltpu.async_copy(mfeat_h.at[iu], fu, sem)
        c3 = pltpu.async_copy(rtab_h.at[iv], ev, sem)
        c4 = pltpu.async_copy(rfeat_h.at[iv], fv, sem)
        c1.wait()
        c2.wait()
        c3.wait()
        c4.wait()
        pltpu.sync_copy(eu, eu_h.at[pl.ds(base, BPW)])
        pltpu.sync_copy(fu, fu_h.at[pl.ds(base, BPW)])
        pltpu.sync_copy(ev, ev_h.at[pl.ds(base, BPW)])
        pltpu.sync_copy(fv, fv_h.at[pl.ds(base, BPW)])

    return k(mtab, mfeat, rtab, rfeat, idx_u, idx_v)


BT = 2048


def _tc_body(eu_ref, fu_ref, ev_ref, fv_ref,
             mw1, mb1, mw2, mb2, mw3, mb3,
             rw1, rb1, rw2, rb2, rw3, rb3, out_ref):
    def mlp(f, w1, b1, w2, b2, w3, b3):
        h = jnp.dot(f, w1[...], precision=lax.Precision.HIGHEST,
                    preferred_element_type=jnp.float32) + b1[...]
        h = jnp.maximum(h, 0.0)
        h = jnp.dot(h, w2[...], precision=lax.Precision.HIGHEST,
                    preferred_element_type=jnp.float32) + b2[...]
        h = jnp.maximum(h, 0.0)
        return jnp.dot(h, w3[...], precision=lax.Precision.HIGHEST,
                       preferred_element_type=jnp.float32) + b3[...]

    u = eu_ref[...] + mlp(fu_ref[...], mw1, mb1, mw2, mb2, mw3, mb3)
    v = ev_ref[...] + mlp(fv_ref[...], rw1, rb1, rw2, rb2, rw3, rb3)
    out_ref[...] = jnp.sum(u * v, axis=1, keepdims=True)


def _tc_mlp_dot(eu, fu, ev, fv,
                m_w1, m_b1, m_w2, m_b2, m_w3, m_b3,
                r_w1, r_b1, r_w2, r_b2, r_w3, r_b3):
    row_spec = pl.BlockSpec((BT, D), lambda i: (i, 0))

    def full(shape):
        return pl.BlockSpec(shape, lambda i: tuple(0 for _ in shape))

    out = pl.pallas_call(
        _tc_body,
        grid=(B // BT,),
        in_specs=[
            row_spec, row_spec, row_spec, row_spec,
            full((F, L1)), full((1, L1)), full((L1, L2)), full((1, L2)),
            full((L2, D)), full((1, D)),
            full((F, L1)), full((1, L1)), full((L1, L2)), full((1, L2)),
            full((L2, D)), full((1, D)),
        ],
        out_specs=pl.BlockSpec((BT, 1), lambda i: (i, 0)),
        out_shape=jax.ShapeDtypeStruct((B, 1), jnp.float32),
    )(eu, fu, ev, fv,
      m_w1, m_b1.reshape(1, L1), m_w2, m_b2.reshape(1, L2),
      m_w3, m_b3.reshape(1, D),
      r_w1, r_b1.reshape(1, L1), r_w2, r_b2.reshape(1, L2),
      r_w3, r_b3.reshape(1, D))
    return out.reshape(B)


def kernel(x, module_table, module_feats, m_w1, m_b1, m_w2, m_b2, m_w3, m_b3,
           runtime_table, runtime_feats, r_w1, r_b1, r_w2, r_b2, r_w3, r_b3):
    idx_u = x[:, 0]
    idx_v = x[:, 1]
    eu, fu, ev, fv = _sc_gather(module_table, module_feats,
                                runtime_table, runtime_feats, idx_u, idx_v)
    return _tc_mlp_dot(eu, fu, ev, fv,
                       m_w1, m_b1, m_w2, m_b2, m_w3, m_b3,
                       r_w1, r_b1, r_w2, r_b2, r_w3, r_b3)

# --- scband reference (transcript-rebuilt; emitter-appended) ---
"""Pipeline reference for scband-mfembedding-60189671686583 (READ-ONLY COPY).

The authoritative reference and input builder live on the scoring server;
editing this copy changes nothing except your own understanding.
"""

import jax, jax.numpy as jnp
import numpy as np

B = 16384
V = 1000000
D = 16   # embedding dim
F = 16   # side-info feature dim
L1 = 64
L2 = 32
SCALE = 0.1


def setup_inputs(seed: int = 0) -> dict:
    key = jax.random.key(seed)
    ks = jax.random.split(key, 20)
    inp = {}
    inp["x"] = jax.random.randint(ks[0], (B, 2), 0, V, dtype=jnp.int32)
    # module-side hybrid embedding params
    inp["module_table"] = SCALE * jax.random.normal(ks[1], (V, D), dtype=jnp.float32)
    inp["module_feats"] = jax.random.normal(ks[2], (V, F), dtype=jnp.float32)
    inp["m_w1"] = jax.random.normal(ks[3], (F, L1), dtype=jnp.float32) / np.sqrt(F)
    inp["m_b1"] = jnp.zeros((L1,), dtype=jnp.float32)
    inp["m_w2"] = jax.random.normal(ks[4], (L1, L2), dtype=jnp.float32) / np.sqrt(L1)
    inp["m_b2"] = jnp.zeros((L2,), dtype=jnp.float32)
    inp["m_w3"] = jax.random.normal(ks[5], (L2, D), dtype=jnp.float32) / np.sqrt(L2)
    inp["m_b3"] = jnp.zeros((D,), dtype=jnp.float32)
    # runtime-side hybrid embedding params
    inp["runtime_table"] = SCALE * jax.random.normal(ks[6], (V, D), dtype=jnp.float32)
    inp["runtime_feats"] = jax.random.normal(ks[7], (V, F), dtype=jnp.float32)
    inp["r_w1"] = jax.random.normal(ks[8], (F, L1), dtype=jnp.float32) / np.sqrt(F)
    inp["r_b1"] = jnp.zeros((L1,), dtype=jnp.float32)
    inp["r_w2"] = jax.random.normal(ks[9], (L1, L2), dtype=jnp.float32) / np.sqrt(L1)
    inp["r_b2"] = jnp.zeros((L2,), dtype=jnp.float32)
    inp["r_w3"] = jax.random.normal(ks[10], (L2, D), dtype=jnp.float32) / np.sqrt(L2)
    inp["r_b3"] = jnp.zeros((D,), dtype=jnp.float32)
    return inp


def _hybrid(idx, table, feats, w1, b1, w2, b2, w3, b3):
    # HybridEmbedding: learned id embedding + MLP over side information features
    e = jnp.take(table, idx, axis=0)
    h = jnp.take(feats, idx, axis=0)
    h = jax.nn.relu(h @ w1 + b1)
    h = jax.nn.relu(h @ w2 + b2)
    h = h @ w3 + b3
    return e + h


def reference(x, module_table, module_feats, m_w1, m_b1, m_w2, m_b2, m_w3, m_b3,
              runtime_table, runtime_feats, r_w1, r_b1, r_w2, r_b2, r_w3, r_b3):
    u = _hybrid(x[:, 0], module_table, module_feats, m_w1, m_b1, m_w2, m_b2, m_w3, m_b3)
    v = _hybrid(x[:, 1], runtime_table, runtime_feats, r_w1, r_b1, r_w2, r_b2, r_w3, r_b3)
    return jnp.sum(u * v, axis=1)

if __name__ == "__main__":
    import jax
    _d = setup_inputs()
    print(jax.jit(kernel)(*tuple(_d.values())))

</pallas_src>

<mosaic_0001>
#map = affine_map<(d0, d1) -> (0, 0)>
#map1 = affine_map<(d0, d1) -> (0)>
module attributes {stable_mosaic.version = 14 : i64} {
  func.func @k(%arg0: i32, %arg1: i32, %arg2: memref<1000000x16xf32, #tpu.memory_space<hbm>>, %arg3: memref<1000000x16xf32, #tpu.memory_space<hbm>>, %arg4: memref<1000000x16xf32, #tpu.memory_space<hbm>>, %arg5: memref<1000000x16xf32, #tpu.memory_space<hbm>>, %arg6: memref<16384xi32, #tpu.memory_space<hbm>>, %arg7: memref<16384xi32, #tpu.memory_space<hbm>>, %arg8: memref<16384x16xf32, #tpu.memory_space<hbm>>, %arg9: memref<16384x16xf32, #tpu.memory_space<hbm>>, %arg10: memref<16384x16xf32, #tpu.memory_space<hbm>>, %arg11: memref<16384x16xf32, #tpu.memory_space<hbm>>, %arg12: memref<512xi32, #tpu.memory_space<vmem>>, %arg13: memref<512xi32, #tpu.memory_space<vmem>>, %arg14: memref<512x16xf32, #tpu.memory_space<vmem>>, %arg15: memref<512x16xf32, #tpu.memory_space<vmem>>, %arg16: memref<512x16xf32, #tpu.memory_space<vmem>>, %arg17: memref<512x16xf32, #tpu.memory_space<vmem>>, %arg18: memref<!tpu.dma_semaphore, #tpu.memory_space<semaphore_mem>>) attributes {dimension_semantics = [#tpu.dimension_semantics<core_parallel>, #tpu.dimension_semantics<subcore_parallel>], iteration_bounds = array<i64: 2, 16>, scalar_prefetch = 0 : i64, scratch_operands = 7 : i64, tpu.core_type = #tpu.core_type<sc_vector_subcore>, window_params = [{transform_indices = #map}, {transform_indices = #map}, {transform_indices = #map}, {transform_indices = #map}, {transform_indices = #map1}, {transform_indices = #map1}, {transform_indices = #map}, {transform_indices = #map}, {transform_indices = #map}, {transform_indices = #map}]} {
    %mul3A = arith.constant 2 : i32
    %mul3A_0 = arith.muli %arg1, %mul3A : i32
    %add3A = arith.addi %mul3A_0, %arg0 : i32
    %mul3A_1 = arith.constant 512 : i32
    %mul3A_2 = arith.muli %add3A, %mul3A_1 : i32
    "tpu.region"() ({
      %run_scoped3A = tpu.sem_alloc : memref<!tpu.dma_semaphore, #tpu.memory_space<semaphore_mem>>
      %dma_start3A_25 = tpu.memref_slice %arg6[%mul3A_2] : memref<16384xi32, #tpu.memory_space<hbm>> -> memref<512xi32, #tpu.memory_space<hbm>>
      %dma_start3A_26 = tpu.memref_slice %arg6[%mul3A_2] : memref<16384xi32, #tpu.memory_space<hbm>> -> memref<512xi32, #tpu.memory_space<hbm>>
      tpu.enqueue_dma source(%dma_start3A_26 : memref<512xi32, #tpu.memory_space<hbm>>) target(%arg12 : memref<512xi32, #tpu.memory_space<vmem>>) target_semaphore(%run_scoped3A : memref<!tpu.dma_semaphore, #tpu.memory_space<semaphore_mem>>)
      %dma_wait3A_27 = tpu.memref_slice %arg6[%mul3A_2] : memref<16384xi32, #tpu.memory_space<hbm>> -> memref<512xi32, #tpu.memory_space<hbm>>
      %dma_wait3A_28 = tpu.memref_slice %arg6[%mul3A_2] : memref<16384xi32, #tpu.memory_space<hbm>> -> memref<512xi32, #tpu.memory_space<hbm>>
      tpu.wait_dma2 semaphore(%run_scoped3A : memref<!tpu.dma_semaphore, #tpu.memory_space<semaphore_mem>>) src(%dma_wait3A_28 : memref<512xi32, #tpu.memory_space<hbm>>) dst(%arg12 : memref<512xi32, #tpu.memory_space<vmem>>)
      tpu.yield
    }) : () -> ()
    "tpu.region"() ({
      %run_scoped3A = tpu.sem_alloc : memref<!tpu.dma_semaphore, #tpu.memory_space<semaphore_mem>>
      %dma_start3A_25 = tpu.memref_slice %arg7[%mul3A_2] : memref<16384xi32, #tpu.memory_space<hbm>> -> memref<512xi32, #tpu.memory_space<hbm>>
      %dma_start3A_26 = tpu.memref_slice %arg7[%mul3A_2] : memref<16384xi32, #tpu.memory_space<hbm>> -> memref<512xi32, #tpu.memory_space<hbm>>
      tpu.enqueue_dma source(%dma_start3A_26 : memref<512xi32, #tpu.memory_space<hbm>>) target(%arg13 : memref<512xi32, #tpu.memory_space<vmem>>) target_semaphore(%run_scoped3A : memref<!tpu.dma_semaphore, #tpu.memory_space<semaphore_mem>>)
      %dma_wait3A_27 = tpu.memref_slice %arg7[%mul3A_2] : memref<16384xi32, #tpu.memory_space<hbm>> -> memref<512xi32, #tpu.memory_space<hbm>>
      %dma_wait3A_28 = tpu.memref_slice %arg7[%mul3A_2] : memref<16384xi32, #tpu.memory_space<hbm>> -> memref<512xi32, #tpu.memory_space<hbm>>
      tpu.wait_dma2 semaphore(%run_scoped3A : memref<!tpu.dma_semaphore, #tpu.memory_space<semaphore_mem>>) src(%dma_wait3A_28 : memref<512xi32, #tpu.memory_space<hbm>>) dst(%arg13 : memref<512xi32, #tpu.memory_space<vmem>>)
      tpu.yield
    }) : () -> ()
    %dma_start3A = arith.constant 0 : i32
    %dma_start3A_3 = arith.constant 0 : i32
    %dma_start3A_4 = tpu.memref_slice %arg2[%dma_start3A, %dma_start3A_3] : memref<1000000x16xf32, #tpu.memory_space<hbm>> -> memref<1000000x16xf32, #tpu.memory_space<hbm>>
    tpu.enqueue_indirect_dma source(%dma_start3A_4 : memref<1000000x16xf32, #tpu.memory_space<hbm>>) target(%arg14 : memref<512x16xf32, #tpu.memory_space<vmem>>) offsets(%arg12 : memref<512xi32, #tpu.memory_space<vmem>>) semaphore(%arg18 : memref<!tpu.dma_semaphore, #tpu.memory_space<semaphore_mem>>)
    %dma_start3A_5 = arith.constant 0 : i32
    %dma_start3A_6 = arith.constant 0 : i32
    %dma_start3A_7 = tpu.memref_slice %arg3[%dma_start3A_5, %dma_start3A_6] : memref<1000000x16xf32, #tpu.memory_space<hbm>> -> memref<1000000x16xf32, #tpu.memory_space<hbm>>
    tpu.enqueue_indirect_dma source(%dma_start3A_7 : memref<1000000x16xf32, #tpu.memory_space<hbm>>) target(%arg15 : memref<512x16xf32, #tpu.memory_space<vmem>>) offsets(%arg12 : memref<512xi32, #tpu.memory_space<vmem>>) semaphore(%arg18 : memref<!tpu.dma_semaphore, #tpu.memory_space<semaphore_mem>>)
    %dma_start3A_8 = arith.constant 0 : i32
    %dma_start3A_9 = arith.constant 0 : i32
    %dma_start3A_10 = tpu.memref_slice %arg4[%dma_start3A_8, %dma_start3A_9] : memref<1000000x16xf32, #tpu.memory_space<hbm>> -> memref<1000000x16xf32, #tpu.memory_space<hbm>>
    tpu.enqueue_indirect_dma source(%dma_start3A_10 : memref<1000000x16xf32, #tpu.memory_space<hbm>>) target(%arg16 : memref<512x16xf32, #tpu.memory_space<vmem>>) offsets(%arg13 : memref<512xi32, #tpu.memory_space<vmem>>) semaphore(%arg18 : memref<!tpu.dma_semaphore, #tpu.memory_space<semaphore_mem>>)
    %dma_start3A_11 = arith.constant 0 : i32
    %dma_start3A_12 = arith.constant 0 : i32
    %dma_start3A_13 = tpu.memref_slice %arg5[%dma_start3A_11, %dma_start3A_12] : memref<1000000x16xf32, #tpu.memory_space<hbm>> -> memref<1000000x16xf32, #tpu.memory_space<hbm>>
    tpu.enqueue_indirect_dma source(%dma_start3A_13 : memref<1000000x16xf32, #tpu.memory_space<hbm>>) target(%arg17 : memref<512x16xf32, #tpu.memory_space<vmem>>) offsets(%arg13 : memref<512xi32, #tpu.memory_space<vmem>>) semaphore(%arg18 : memref<!tpu.dma_semaphore, #tpu.memory_space<semaphore_mem>>)
    %dma_wait3A = arith.constant 0 : i32
    %dma_wait3A_14 = arith.constant 0 : i32
    %dma_wait3A_15 = tpu.memref_slice %arg2[%dma_wait3A, %dma_wait3A_14] : memref<1000000x16xf32, #tpu.memory_space<hbm>> -> memref<1000000x16xf32, #tpu.memory_space<hbm>>
    tpu.wait_indirect_dma semaphore(%arg18 : memref<!tpu.dma_semaphore, #tpu.memory_space<semaphore_mem>>) src(%dma_wait3A_15 : memref<1000000x16xf32, #tpu.memory_space<hbm>>) dst(%arg14 : memref<512x16xf32, #tpu.memory_space<vmem>>)
    %dma_wait3A_16 = arith.constant 0 : i32
    %dma_wait3A_17 = arith.constant 0 : i32
    %dma_wait3A_18 = tpu.memref_slice %arg3[%dma_wait3A_16, %dma_wait3A_17] : memref<1000000x16xf32, #tpu.memory_space<hbm>> -> memref<1000000x16xf32, #tpu.memory_space<hbm>>
    tpu.wait_indirect_dma semaphore(%arg18 : memref<!tpu.dma_semaphore, #tpu.memory_space<semaphore_mem>>) src(%dma_wait3A_18 : memref<1000000x16xf32, #tpu.memory_space<hbm>>) dst(%arg15 : memref<512x16xf32, #tpu.memory_space<vmem>>)
    %dma_wait3A_19 = arith.constant 0 : i32
    %dma_wait3A_20 = arith.constant 0 : i32
    %dma_wait3A_21 = tpu.memref_slice %arg4[%dma_wait3A_19, %dma_wait3A_20] : memref<1000000x16xf32, #tpu.memory_space<hbm>> -> memref<1000000x16xf32, #tpu.memory_space<hbm>>
    tpu.wait_indirect_dma semaphore(%arg18 : memref<!tpu.dma_semaphore, #tpu.memory_space<semaphore_mem>>) src(%dma_wait3A_21 : memref<1000000x16xf32, #tpu.memory_space<hbm>>) dst(%arg16 : memref<512x16xf32, #tpu.memory_space<vmem>>)
    %dma_wait3A_22 = arith.constant 0 : i32
    %dma_wait3A_23 = arith.constant 0 : i32
    %dma_wait3A_24 = tpu.memref_slice %arg5[%dma_wait3A_22, %dma_wait3A_23] : memref<1000000x16xf32, #tpu.memory_space<hbm>> -> memref<1000000x16xf32, #tpu.memory_space<hbm>>
    tpu.wait_indirect_dma semaphore(%arg18 : memref<!tpu.dma_semaphore, #tpu.memory_space<semaphore_mem>>) src(%dma_wait3A_24 : memref<1000000x16xf32, #tpu.memory_space<hbm>>) dst(%arg17 : memref<512x16xf32, #tpu.memory_space<vmem>>)
    "tpu.region"() ({
      %run_scoped3A = tpu.sem_alloc : memref<!tpu.dma_semaphore, #tpu.memory_space<semaphore_mem>>
      %dma_start3A_25 = arith.constant 0 : i32
      %dma_start3A_26 = tpu.memref_slice %arg8[%mul3A_2, %dma_start3A_25] : memref<16384x16xf32, #tpu.memory_space<hbm>> -> memref<512x16xf32, #tpu.memory_space<hbm>>
      %dma_start3A_27 = arith.constant 0 : i32
      %dma_start3A_28 = tpu.memref_slice %arg8[%mul3A_2, %dma_start3A_27] : memref<16384x16xf32, #tpu.memory_space<hbm>> -> memref<512x16xf32, #tpu.memory_space<hbm>>
      tpu.enqueue_dma source(%arg14 : memref<512x16xf32, #tpu.memory_space<vmem>>) target(%dma_start3A_28 : memref<512x16xf32, #tpu.memory_space<hbm>>) target_semaphore(%run_scoped3A : memref<!tpu.dma_semaphore, #tpu.memory_space<semaphore_mem>>)
      %dma_wait3A_29 = arith.constant 0 : i32
      %dma_wait3A_30 = tpu.memref_slice %arg8[%mul3A_2, %dma_wait3A_29] : memref<16384x16xf32, #tpu.memory_space<hbm>> -> memref<512x16xf32, #tpu.memory_space<hbm>>
      %dma_wait3A_31 = arith.constant 0 : i32
      %dma_wait3A_32 = tpu.memref_slice %arg8[%mul3A_2, %dma_wait3A_31] : memref<16384x16xf32, #tpu.memory_space<hbm>> -> memref<512x16xf32, #tpu.memory_space<hbm>>
      tpu.wait_dma2 semaphore(%run_scoped3A : memref<!tpu.dma_semaphore, #tpu.memory_space<semaphore_mem>>) src(%arg14 : memref<512x16xf32, #tpu.memory_space<vmem>>) dst(%dma_wait3A_32 : memref<512x16xf32, #tpu.memory_space<hbm>>)
      tpu.yield
    }) : () -> ()
    "tpu.region"() ({
      %run_scoped3A = tpu.sem_alloc : memref<!tpu.dma_semaphore, #tpu.memory_space<semaphore_mem>>
      %dma_start3A_25 = arith.constant 0 : i32
      %dma_start3A_26 = tpu.memref_slice %arg9[%mul3A_2, %dma_start3A_25] : memref<16384x16xf32, #tpu.memory_space<hbm>> -> memref<512x16xf32, #tpu.memory_space<hbm>>
      %dma_start3A_27 = arith.constant 0 : i32
      %dma_start3A_28 = tpu.memref_slice %arg9[%mul3A_2, %dma_start3A_27] : memref<16384x16xf32, #tpu.memory_space<hbm>> -> memref<512x16xf32, #tpu.memory_space<hbm>>
      tpu.enqueue_dma source(%arg15 : memref<512x16xf32, #tpu.memory_space<vmem>>) target(%dma_start3A_28 : memref<512x16xf32, #tpu.memory_space<hbm>>) target_semaphore(%run_scoped3A : memref<!tpu.dma_semaphore, #tpu.memory_space<semaphore_mem>>)
      %dma_wait3A_29 = arith.constant 0 : i32
      %dma_wait3A_30 = tpu.memref_slice %arg9[%mul3A_2, %dma_wait3A_29] : memref<16384x16xf32, #tpu.memory_space<hbm>> -> memref<512x16xf32, #tpu.memory_space<hbm>>
      %dma_wait3A_31 = arith.constant 0 : i32
      %dma_wait3A_32 = tpu.memref_slice %arg9[%mul3A_2, %dma_wait3A_31] : memref<16384x16xf32, #tpu.memory_space<hbm>> -> memref<512x16xf32, #tpu.memory_space<hbm>>
      tpu.wait_dma2 semaphore(%run_scoped3A : memref<!tpu.dma_semaphore, #tpu.memory_space<semaphore_mem>>) src(%arg15 : memref<512x16xf32, #tpu.memory_space<vmem>>) dst(%dma_wait3A_32 : memref<512x16xf32, #tpu.memory_space<hbm>>)
      tpu.yield
    }) : () -> ()
    "tpu.region"() ({
      %run_scoped3A = tpu.sem_alloc : memref<!tpu.dma_semaphore, #tpu.memory_space<semaphore_mem>>
      %dma_start3A_25 = arith.constant 0 : i32
      %dma_start3A_26 = tpu.memref_slice %arg10[%mul3A_2, %dma_start3A_25] : memref<16384x16xf32, #tpu.memory_space<hbm>> -> memref<512x16xf32, #tpu.memory_space<hbm>>
      %dma_start3A_27 = arith.constant 0 : i32
      %dma_start3A_28 = tpu.memref_slice %arg10[%mul3A_2, %dma_start3A_27] : memref<16384x16xf32, #tpu.memory_space<hbm>> -> memref<512x16xf32, #tpu.memory_space<hbm>>
      tpu.enqueue_dma source(%arg16 : memref<512x16xf32, #tpu.memory_space<vmem>>) target(%dma_start3A_28 : memref<512x16xf32, #tpu.memory_space<hbm>>) target_semaphore(%run_scoped3A : memref<!tpu.dma_semaphore, #tpu.memory_space<semaphore_mem>>)
      %dma_wait3A_29 = arith.constant 0 : i32
      %dma_wait3A_30 = tpu.memref_slice %arg10[%mul3A_2, %dma_wait3A_29] : memref<16384x16xf32, #tpu.memory_space<hbm>> -> memref<512x16xf32, #tpu.memory_space<hbm>>
      %dma_wait3A_31 = arith.constant 0 : i32
      %dma_wait3A_32 = tpu.memref_slice %arg10[%mul3A_2, %dma_wait3A_31] : memref<16384x16xf32, #tpu.memory_space<hbm>> -> memref<512x16xf32, #tpu.memory_space<hbm>>
      tpu.wait_dma2 semaphore(%run_scoped3A : memref<!tpu.dma_semaphore, #tpu.memory_space<semaphore_mem>>) src(%arg16 : memref<512x16xf32, #tpu.memory_space<vmem>>) dst(%dma_wait3A_32 : memref<512x16xf32, #tpu.memory_space<hbm>>)
      tpu.yield
    }) : () -> ()
    "tpu.region"() ({
      %run_scoped3A = tpu.sem_alloc : memref<!tpu.dma_semaphore, #tpu.memory_space<semaphore_mem>>
      %dma_start3A_25 = arith.constant 0 : i32
      %dma_start3A_26 = tpu.memref_slice %arg11[%mul3A_2, %dma_start3A_25] : memref<16384x16xf32, #tpu.memory_space<hbm>> -> memref<512x16xf32, #tpu.memory_space<hbm>>
      %dma_start3A_27 = arith.constant 0 : i32
      %dma_start3A_28 = tpu.memref_slice %arg11[%mul3A_2, %dma_start3A_27] : memref<16384x16xf32, #tpu.memory_space<hbm>> -> memref<512x16xf32, #tpu.memory_space<hbm>>
      tpu.enqueue_dma source(%arg17 : memref<512x16xf32, #tpu.memory_space<vmem>>) target(%dma_start3A_28 : memref<512x16xf32, #tpu.memory_space<hbm>>) target_semaphore(%run_scoped3A : memref<!tpu.dma_semaphore, #tpu.memory_space<semaphore_mem>>)
      %dma_wait3A_29 = arith.constant 0 : i32
      %dma_wait3A_30 = tpu.memref_slice %arg11[%mul3A_2, %dma_wait3A_29] : memref<16384x16xf32, #tpu.memory_space<hbm>> -> memref<512x16xf32, #tpu.memory_space<hbm>>
      %dma_wait3A_31 = arith.constant 0 : i32
      %dma_wait3A_32 = tpu.memref_slice %arg11[%mul3A_2, %dma_wait3A_31] : memref<16384x16xf32, #tpu.memory_space<hbm>> -> memref<512x16xf32, #tpu.memory_space<hbm>>
      tpu.wait_dma2 semaphore(%run_scoped3A : memref<!tpu.dma_semaphore, #tpu.memory_space<semaphore_mem>>) src(%arg17 : memref<512x16xf32, #tpu.memory_space<vmem>>) dst(%dma_wait3A_32 : memref<512x16xf32, #tpu.memory_space<hbm>>)
      tpu.yield
    }) : () -> ()
    return
  }
}

module attributes {stable_mosaic.version = 14 : i64} {
  func.func @_tc_body(%arg0: i32, %arg1: memref<2048x16xf32, #tpu.memory_space<vmem>>, %arg2: memref<2048x16xf32, #tpu.memory_space<vmem>>, %arg3: memref<2048x16xf32, #tpu.memory_space<vmem>>, %arg4: memref<2048x16xf32, #tpu.memory_space<vmem>>, %arg5: memref<16x64xf32, #tpu.memory_space<vmem>>, %arg6: memref<1x64xf32, #tpu.memory_space<vmem>>, %arg7: memref<64x32xf32, #tpu.memory_space<vmem>>, %arg8: memref<1x32xf32, #tpu.memory_space<vmem>>, %arg9: memref<32x16xf32, #tpu.memory_space<vmem>>, %arg10: memref<1x16xf32, #tpu.memory_space<vmem>>, %arg11: memref<16x64xf32, #tpu.memory_space<vmem>>, %arg12: memref<1x64xf32, #tpu.memory_space<vmem>>, %arg13: memref<64x32xf32, #tpu.memory_space<vmem>>, %arg14: memref<1x32xf32, #tpu.memory_space<vmem>>, %arg15: memref<32x16xf32, #tpu.memory_space<vmem>>, %arg16: memref<1x16xf32, #tpu.memory_space<vmem>>, %arg17: memref<2048x1xf32, #tpu.memory_space<vmem>>) attributes {dimension_semantics = [#tpu.dimension_semantics<arbitrary>], iteration_bounds = array<i64: 8>, scalar_prefetch = 0 : i64, scratch_operands = 0 : i64, tpu.core_type = #tpu.core_type<tc>, window_params = [{transform_indices = @transform_0, window_bounds = array<i64: 2048, 16>}, {transform_indices = @transform_1, window_bounds = array<i64: 2048, 16>}, {transform_indices = @transform_2, window_bounds = array<i64: 2048, 16>}, {transform_indices = @transform_3, window_bounds = array<i64: 2048, 16>}, {pipeline_mode = #tpu.pipeline_mode<synchronous>, transform_indices = @transform_4, window_bounds = array<i64: 16, 64>}, {pipeline_mode = #tpu.pipeline_mode<synchronous>, transform_indices = @transform_5, window_bounds = array<i64: 1, 64>}, {pipeline_mode = #tpu.pipeline_mode<synchronous>, transform_indices = @transform_6, window_bounds = array<i64: 64, 32>}, {pipeline_mode = #tpu.pipeline_mode<synchronous>, transform_indices = @transform_7, window_bounds = array<i64: 1, 32>}, {pipeline_mode = #tpu.pipeline_mode<synchronous>, transform_indices = @transform_8, window_bounds = array<i64: 32, 16>}, {pipeline_mode = #tpu.pipeline_mode<synchronous>, transform_indices = @transform_9, window_bounds = array<i64: 1, 16>}, {pipeline_mode = #tpu.pipeline_mode<synchronous>, transform_indices = @transform_10, window_bounds = array<i64: 16, 64>}, {pipeline_mode = #tpu.pipeline_mode<synchronous>, transform_indices = @transform_11, window_bounds = array<i64: 1, 64>}, {pipeline_mode = #tpu.pipeline_mode<synchronous>, transform_indices = @transform_12, window_bounds = array<i64: 64, 32>}, {pipeline_mode = #tpu.pipeline_mode<synchronous>, transform_indices = @transform_13, window_bounds = array<i64: 1, 32>}, {pipeline_mode = #tpu.pipeline_mode<synchronous>, transform_indices = @transform_14, window_bounds = array<i64: 32, 16>}, {pipeline_mode = #tpu.pipeline_mode<synchronous>, transform_indices = @transform_15, window_bounds = array<i64: 1, 16>}, {transform_indices = @transform_16, window_bounds = array<i64: 2048, 1>}]} {
    %get3A = arith.constant 0 : index
    %get3A_0 = arith.constant 0 : index
    %get3A_1 = vector.load %arg1[%get3A, %get3A_0] : memref<2048x16xf32, #tpu.memory_space<vmem>>, vector<2048x16xf32>
    %get3A_2 = arith.constant 0 : index
    %get3A_3 = arith.constant 0 : index
    %get3A_4 = vector.load %arg2[%get3A_2, %get3A_3] : memref<2048x16xf32, #tpu.memory_space<vmem>>, vector<2048x16xf32>
    %get3A_5 = arith.constant 0 : index
    %get3A_6 = arith.constant 0 : index
    %get3A_7 = vector.load %arg5[%get3A_5, %get3A_6] : memref<16x64xf32, #tpu.memory_space<vmem>>, vector<16x64xf32>
    %dot_general3A = arith.constant dense<0.000000e+00> : vector<2048x64xf32>
    %dot_general3A_8 = tpu.matmul %get3A_4, %get3A_7, %dot_general3A {dimension_numbers = #tpu.dot_dimension_numbers<[1], [0], [0], [1], [0, 0, 1, 1], [], []>, precision = #tpu.contract_precision<fp32>, transpose_lhs_hint = false} : vector<2048x16xf32>, vector<16x64xf32>, vector<2048x64xf32> -> vector<2048x64xf32>
    %get3A_9 = arith.constant 0 : index
    %get3A_10 = arith.constant 0 : index
    %get3A_11 = vector.load %arg6[%get3A_9, %get3A_10] : memref<1x64xf32, #tpu.memory_space<vmem>>, vector<1x64xf32>
    %add3A = vector.broadcast %get3A_11 : vector<1x64xf32> to vector<2048x64xf32>
    %add3A_12 = arith.addf %dot_general3A_8, %add3A : vector<2048x64xf32>
    %max3A = arith.constant 0.000000e+00 : f32
    %max3A_13 = vector.broadcast %max3A : f32 to vector<2048x64xf32>
    %max3A_14 = arith.maximumf %add3A_12, %max3A_13 : vector<2048x64xf32>
    %get3A_15 = arith.constant 0 : index
    %get3A_16 = arith.constant 0 : index
    %get3A_17 = vector.load %arg7[%get3A_15, %get3A_16] : memref<64x32xf32, #tpu.memory_space<vmem>>, vector<64x32xf32>
    %dot_general3A_18 = arith.constant dense<0.000000e+00> : vector<2048x32xf32>
    %dot_general3A_19 = tpu.matmul %max3A_14, %get3A_17, %dot_general3A_18 {dimension_numbers = #tpu.dot_dimension_numbers<[1], [0], [0], [1], [0, 0, 1, 1], [], []>, precision = #tpu.contract_precision<fp32>, transpose_lhs_hint = false} : vector<2048x64xf32>, vector<64x32xf32>, vector<2048x32xf32> -> vector<2048x32xf32>
    %get3A_20 = arith.constant 0 : index
    %get3A_21 = arith.constant 0 : index
    %get3A_22 = vector.load %arg8[%get3A_20, %get3A_21] : memref<1x32xf32, #tpu.memory_space<vmem>>, vector<1x32xf32>
    %add3A_23 = vector.broadcast %get3A_22 : vector<1x32xf32> to vector<2048x32xf32>
    %add3A_24 = arith.addf %dot_general3A_19, %add3A_23 : vector<2048x32xf32>
    %max3A_25 = arith.constant 0.000000e+00 : f32
    %max3A_26 = vector.broadcast %max3A_25 : f32 to vector<2048x32xf32>
    %max3A_27 = arith.maximumf %add3A_24, %max3A_26 : vector<2048x32xf32>
    %get3A_28 = arith.constant 0 : index
    %get3A_29 = arith.constant 0 : index
    %get3A_30 = vector.load %arg9[%get3A_28, %get3A_29] : memref<32x16xf32, #tpu.memory_space<vmem>>, vector<32x16xf32>
    %dot_general3A_31 = arith.constant dense<0.000000e+00> : vector<2048x16xf32>
    %dot_general3A_32 = tpu.matmul %max3A_27, %get3A_30, %dot_general3A_31 {dimension_numbers = #tpu.dot_dimension_numbers<[1], [0], [0], [1], [0, 0, 1, 1], [], []>, precision = #tpu.contract_precision<fp32>, transpose_lhs_hint = false} : vector<2048x32xf32>, vector<32x16xf32>, vector<2048x16xf32> -> vector<2048x16xf32>
    %get3A_33 = arith.constant 0 : index
    %get3A_34 = arith.constant 0 : index
    %get3A_35 = vector.load %arg10[%get3A_33, %get3A_34] : memref<1x16xf32, #tpu.memory_space<vmem>>, vector<1x16xf32>
    %add3A_36 = vector.broadcast %get3A_35 : vector<1x16xf32> to vector<2048x16xf32>
    %add3A_37 = arith.addf %dot_general3A_32, %add3A_36 : vector<2048x16xf32>
    %add3A_38 = arith.addf %get3A_1, %add3A_37 : vector<2048x16xf32>
    %get3A_39 = arith.constant 0 : index
    %get3A_40 = arith.constant 0 : index
    %get3A_41 = vector.load %arg3[%get3A_39, %get3A_40] : memref<2048x16xf32, #tpu.memory_space<vmem>>, vector<2048x16xf32>
    %get3A_42 = arith.constant 0 : index
    %get3A_43 = arith.constant 0 : index
    %get3A_44 = vector.load %arg4[%get3A_42, %get3A_43] : memref<2048x16xf32, #tpu.memory_space<vmem>>, vector<2048x16xf32>
    %get3A_45 = arith.constant 0 : index
    %get3A_46 = arith.constant 0 : index
    %get3A_47 = vector.load %arg11[%get3A_45, %get3A_46] : memref<16x64xf32, #tpu.memory_space<vmem>>, vector<16x64xf32>
    %dot_general3A_48 = arith.constant dense<0.000000e+00> : vector<2048x64xf32>
    %dot_general3A_49 = tpu.matmul %get3A_44, %get3A_47, %dot_general3A_48 {dimension_numbers = #tpu.dot_dimension_numbers<[1], [0], [0], [1], [0, 0, 1, 1], [], []>, precision = #tpu.contract_precision<fp32>, transpose_lhs_hint = false} : vector<2048x16xf32>, vector<16x64xf32>, vector<2048x64xf32> -> vector<2048x64xf32>
    %get3A_50 = arith.constant 0 : index
    %get3A_51 = arith.constant 0 : index
    %get3A_52 = vector.load %arg12[%get3A_50, %get3A_51] : memref<1x64xf32, #tpu.memory_space<vmem>>, vector<1x64xf32>
    %add3A_53 = vector.broadcast %get3A_52 : vector<1x64xf32> to vector<2048x64xf32>
    %add3A_54 = arith.addf %dot_general3A_49, %add3A_53 : vector<2048x64xf32>
    %max3A_55 = arith.constant 0.000000e+00 : f32
    %max3A_56 = vector.broadcast %max3A_55 : f32 to vector<2048x64xf32>
    %max3A_57 = arith.maximumf %add3A_54, %max3A_56 : vector<2048x64xf32>
    %get3A_58 = arith.constant 0 : index
    %get3A_59 = arith.constant 0 : index
    %get3A_60 = vector.load %arg13[%get3A_58, %get3A_59] : memref<64x32xf32, #tpu.memory_space<vmem>>, vector<64x32xf32>
    %dot_general3A_61 = arith.constant dense<0.000000e+00> : vector<2048x32xf32>
    %dot_general3A_62 = tpu.matmul %max3A_57, %get3A_60, %dot_general3A_61 {dimension_numbers = #tpu.dot_dimension_numbers<[1], [0], [0], [1], [0, 0, 1, 1], [], []>, precision = #tpu.contract_precision<fp32>, transpose_lhs_hint = false} : vector<2048x64xf32>, vector<64x32xf32>, vector<2048x32xf32> -> vector<2048x32xf32>
    %get3A_63 = arith.constant 0 : index
    %get3A_64 = arith.constant 0 : index
    %get3A_65 = vector.load %arg14[%get3A_63, %get3A_64] : memref<1x32xf32, #tpu.memory_space<vmem>>, vector<1x32xf32>
    %add3A_66 = vector.broadcast %get3A_65 : vector<1x32xf32> to vector<2048x32xf32>
    %add3A_67 = arith.addf %dot_general3A_62, %add3A_66 : vector<2048x32xf32>
    %max3A_68 = arith.constant 0.000000e+00 : f32
    %max3A_69 = vector.broadcast %max3A_68 : f32 to vector<2048x32xf32>
    %max3A_70 = arith.maximumf %add3A_67, %max3A_69 : vector<2048x32xf32>
    %get3A_71 = arith.constant 0 : index
    %get3A_72 = arith.constant 0 : index
    %get3A_73 = vector.load %arg15[%get3A_71, %get3A_72] : memref<32x16xf32, #tpu.memory_space<vmem>>, vector<32x16xf32>
    %dot_general3A_74 = arith.constant dense<0.000000e+00> : vector<2048x16xf32>
    %dot_general3A_75 = tpu.matmul %max3A_70, %get3A_73, %dot_general3A_74 {dimension_numbers = #tpu.dot_dimension_numbers<[1], [0], [0], [1], [0, 0, 1, 1], [], []>, precision = #tpu.contract_precision<fp32>, transpose_lhs_hint = false} : vector<2048x32xf32>, vector<32x16xf32>, vector<2048x16xf32> -> vector<2048x16xf32>
    %get3A_76 = arith.constant 0 : index
    %get3A_77 = arith.constant 0 : index
    %get3A_78 = vector.load %arg16[%get3A_76, %get3A_77] : memref<1x16xf32, #tpu.memory_space<vmem>>, vector<1x16xf32>
    %add3A_79 = vector.broadcast %get3A_78 : vector<1x16xf32> to vector<2048x16xf32>
    %add3A_80 = arith.addf %dot_general3A_75, %add3A_79 : vector<2048x16xf32>
    %add3A_81 = arith.addf %get3A_41, %add3A_80 : vector<2048x16xf32>
    %mul3A = arith.mulf %add3A_38, %add3A_81 : vector<2048x16xf32>
    %reduce_sum3A = arith.constant dense<0.000000e+00> : vector<2048xf32>
    %reduce_sum3A_82 = vector.multi_reduction <add>, %mul3A, %reduce_sum3A [1] : vector<2048x16xf32> to vector<2048xf32>
    %broadcast_in_dim3A = vector.shape_cast %reduce_sum3A_82 : vector<2048xf32> to vector<2048x1xf32>
    %swap3A = arith.constant 0 : index
    %swap3A_83 = arith.constant 0 : index
    %swap3A_84 = vector.load %arg17[%swap3A, %swap3A_83] : memref<2048x1xf32, #tpu.memory_space<vmem>>, vector<2048x1xf32>
    tpu.vector_store %arg17[%swap3A, %swap3A_83], %broadcast_in_dim3A {strides = array<i32>} : memref<2048x1xf32, #tpu.memory_space<vmem>>, vector<2048x1xf32>,
    return
  }
  func.func @transform_0(%arg0: i32) -> (i32, i32) {
    %c0_i32 = arith.constant 0 : i32
    %c0_i32_0 = arith.constant 0 : i32
    return %arg0, %c0_i32 : i32, i32
  }
  func.func @transform_1(%arg0: i32) -> (i32, i32) {
    %c0_i32 = arith.constant 0 : i32
    %c0_i32_0 = arith.constant 0 : i32
    return %arg0, %c0_i32 : i32, i32
  }
  func.func @transform_2(%arg0: i32) -> (i32, i32) {
    %c0_i32 = arith.constant 0 : i32
    %c0_i32_0 = arith.constant 0 : i32
    return %arg0, %c0_i32 : i32, i32
  }
  func.func @transform_3(%arg0: i32) -> (i32, i32) {
    %c0_i32 = arith.constant 0 : i32
    %c0_i32_0 = arith.constant 0 : i32
    return %arg0, %c0_i32 : i32, i32
  }
  func.func @transform_4(%arg0: i32) -> (i32, i32) {
    %c0_i32 = arith.constant 0 : i32
    %c0_i32_0 = arith.constant 0 : i32
    %c0_i32_1 = arith.constant 0 : i32
    return %c0_i32, %c0_i32_0 : i32, i32
  }
  func.func @transform_5(%arg0: i32) -> (i32, i32) {
    %c0_i32 = arith.constant 0 : i32
    %c0_i32_0 = arith.constant 0 : i32
    %c0_i32_1 = arith.constant 0 : i32
    return %c0_i32, %c0_i32_0 : i32, i32
  }
  func.func @transform_6(%arg0: i32) -> (i32, i32) {
    %c0_i32 = arith.constant 0 : i32
    %c0_i32_0 = arith.constant 0 : i32
    %c0_i32_1 = arith.constant 0 : i32
    return %c0_i32, %c0_i32_0 : i32, i32
  }
  func.func @transform_7(%arg0: i32) -> (i32, i32) {
    %c0_i32 = arith.constant 0 : i32
    %c0_i32_0 = arith.constant 0 : i32
    %c0_i32_1 = arith.constant 0 : i32
    return %c0_i32, %c0_i32_0 : i32, i32
  }
  func.func @transform_8(%arg0: i32) -> (i32, i32) {
    %c0_i32 = arith.constant 0 : i32
    %c0_i32_0 = arith.constant 0 : i32
    %c0_i32_1 = arith.constant 0 : i32
    return %c0_i32, %c0_i32_0 : i32, i32
  }
  func.func @transform_9(%arg0: i32) -> (i32, i32) {
    %c0_i32 = arith.constant 0 : i32
    %c0_i32_0 = arith.constant 0 : i32
    %c0_i32_1 = arith.constant 0 : i32
    return %c0_i32, %c0_i32_0 : i32, i32
  }
  func.func @transform_10(%arg0: i32) -> (i32, i32) {
    %c0_i32 = arith.constant 0 : i32
    %c0_i32_0 = arith.constant 0 : i32
    %c0_i32_1 = arith.constant 0 : i32
    return %c0_i32, %c0_i32_0 : i32, i32
  }
  func.func @transform_11(%arg0: i32) -> (i32, i32) {
    %c0_i32 = arith.constant 0 : i32
    %c0_i32_0 = arith.constant 0 : i32
    %c0_i32_1 = arith.constant 0 : i32
    return %c0_i32, %c0_i32_0 : i32, i32
  }
  func.func @transform_12(%arg0: i32) -> (i32, i32) {
    %c0_i32 = arith.constant 0 : i32
    %c0_i32_0 = arith.constant 0 : i32
    %c0_i32_1 = arith.constant 0 : i32
    return %c0_i32, %c0_i32_0 : i32, i32
  }
  func.func @transform_13(%arg0: i32) -> (i32, i32) {
    %c0_i32 = arith.constant 0 : i32
    %c0_i32_0 = arith.constant 0 : i32
    %c0_i32_1 = arith.constant 0 : i32
    return %c0_i32, %c0_i32_0 : i32, i32
  }
  func.func @transform_14(%arg0: i32) -> (i32, i32) {
    %c0_i32 = arith.constant 0 : i32
    %c0_i32_0 = arith.constant 0 : i32
    %c0_i32_1 = arith.constant 0 : i32
    return %c0_i32, %c0_i32_0 : i32, i32
  }
  func.func @transform_15(%arg0: i32) -> (i32, i32) {
    %c0_i32 = arith.constant 0 : i32
    %c0_i32_0 = arith.constant 0 : i32
    %c0_i32_1 = arith.constant 0 : i32
    return %c0_i32, %c0_i32_0 : i32, i32
  }
  func.func @transform_16(%arg0: i32) -> (i32, i32) {
    %c0_i32 = arith.constant 0 : i32
    %c0_i32_0 = arith.constant 0 : i32
    return %arg0, %c0_i32 : i32, i32
  }
}

</mosaic_0001>

<sc_bundles>
// kernel: kernel.4.cloned.1.call-start
scs
__scs_entry_jumppad:
0x0: {  	(pc) =	sbr.rel $0x88, $3  }
0x1: {  	(tag) =	ssettag $0x0;
	lr =	simm.s32 $0x1  }
0x2: {  	[smem:$0x3F90] =	sst lr;
	_ =	strace $0xD0000000  }
0x3: {  	_ = 	snop  }
0x4: {  	_ = 	snop  }
0x5: {  	_ = 	snop  }
0x6: {  	_ = 	snop  }
0x7: {  	_ = 	snop  }
__scs_overlays_trampoline_lowered:
0x8: {  	[smem:$0x3F9F] =	sst s0  }
0x9: {  	[smem:$0x3FA0] =	sst s1  }
0xa: {  	[smem:$0x3FA1] =	sst s2  }
0xb: {  	[smem:$0x3FA2] =	sst s3  }
0xc: {  	[smem:$0x3FA3] =	sst s4  }
0xd: {  	[smem:$0x3FA4] =	sst s5  }
0xe: {  	[smem:$0x3FA5] =	sst s6  }
0xf: {  	[smem:$0x3FA6] =	sst s7  }
0x10: {  	[smem:$0x3FA7] =	sst s8  }
0x11: {  	[smem:$0x3FA8] =	sst s9;
	s0 =	simm.s32 @!p0 $0x0  }
0x12: {  	s1 =	sld [smem:$0x3F8E];
	s0 =	simm.s32 @p0 $0x1  }
0x13: {  	[smem:$0x3FA9] =	sst s0;
	s0 =	simm.s32 @!p1 $0x0  }
0x14: {  	s2 =	sld [smem:$0x3F8D];
	s0 =	simm.s32 @p1 $0x1  }
0x15: {  	[smem:$0x3FAA] =	sst s0;
	s0 =	simm.s32 @!p2 $0x0  }
0x16: {  	s3 =	sld [smem:$0x3FDB];
	s0 =	simm.s32 @p2 $0x1  }
0x17: {  	s4 =	simm.s32 $0x1BF5;
	[smem:$0x3FAC] =	sst s0  }
0x18: {  	s0 =	sld [smem:$0x3F8F];
	_ =	swait.ge [sflag:s4], $0x0  }
0x19: {  	s7 =	sld [smem:$0x3F90]  }
0x1a: {  	s8 =	sadd.s32 $0xFFFFE003, lr  }
0x1b: {  	s9 =	sadd.s32 $0xFFFFFEF7, lr;
	s5 =	simm.s32 $0xFFFFFFFF;
	p2 =	slt.u32 s8, $0xFFFFF086  }
0x1c: {  	p1 =	slt.u32 s9, $0xF7A;
	s5 =	simm.s32 @!p2 $0x0  }
0x1d: {  	s5 =	simm.s32 @p1 $0x1;
	p0 =	seq.s32 s7, s2  }
0x1e: {  	s7 =	smul.u32 @!p0 $0xF7A, s2;
	p2 =	seq.s32 @!p0 s5, $0x0  }
0x1f: {  	s9 =	smul.u32 $0xF7A, s1;
	s8 =	simm.s32 @!p0 $0x1BF5;
	p2 =	por !p2, p0  }
0x20: {  	[sflag:s8] =	ssyncset.s32 @!p0 $0xFFFFF086;
	s6 =	sadd.s32 @!p0 s3, s7;
	s7 =	simm.s32 @!p0 $0x108  }
0x21: {  	s3 =	sadd.s32 s3, s9;
	s6 =	sadd.s32 @!p0 $0x88, s6;
	s7 =	simm.s32 @p2 $0x1082  }
0x22: {  	[simem:s7], [sflag:s8] =	dma.local @!p0 [hbm:s6], $0xF7A  }
0x23: {  	s9 =	sor.u32 $0xD0000000, s2;
	s6 =	simm.s32 $0x108;
	_ =	swait.ge @!p0 [sflag:s8], $0x0  }
0x24: {  	s3 =	sadd.s32 $0x88, s3;
	s6 =	simm.s32 @!p1 $0x1082;
	[sflag:s4] =	ssyncset.s32 $0xFFFFF086  }
0x25: {  	[simem:s6], [sflag:s4] =	dma.local [hbm:s3], $0xF7A  }
0x26: {  	[smem:$0x3F90] =	sst s1;
	(tag) =	ssettag s2;
	_ =	strace s9  }
0x27: {  	s1 =	sld [smem:$0x3FA0]  }
0x28: {  	s2 =	sld [smem:$0x3FA1]  }
0x29: {  	s4 =	sld [smem:$0x3FA3]  }
0x2a: {  	p0 =	seq.s32 s5, $0x0;
	s5 =	sld [smem:$0x3FA4]  }
0x2b: {  	s6 =	sld [smem:$0x3FA5]  }
0x2c: {  	s7 =	sld [smem:$0x3FA6]  }
0x2d: {  	s3 =	simm.s32 $0x108;
	s8 =	sld [smem:$0x3FA7]  }
0x2e: {  	s3 =	simm.s32 @!p0 $0x1082;
	s9 =	sld [smem:$0x3FA8]  }
0x2f: {  	lr =	sadd.s32 s0, s3;
	s0 =	sld [smem:$0x3F9F]  }
0x30: {  	s3 =	sld [smem:$0x3FA2]  }
0x31: {  	[smem:$0x3FAB] =	sst s10  }
0x32: {  	s10 =	sld [smem:$0x3FA9];
	_ =	sdelay $0x3  }
0x33: {  	p0 =	seq.s32 s10, $0x1;
	s10 =	sld [smem:$0x3FAB];
	_ =	sdelay $0x3  }
0x34: {  	[smem:$0x3FAB] =	sst s10  }
0x35: {  	s10 =	sld [smem:$0x3FAA];
	_ =	sdelay $0x3  }
0x36: {  	p1 =	seq.s32 s10, $0x1;
	s10 =	sld [smem:$0x3FAB];
	_ =	sdelay $0x3  }
0x37: {  	[smem:$0x3FAB] =	sst s10  }
0x38: {  	s10 =	sld [smem:$0x3FAC]  }
0x39: {  	_ = 	snop;
	(pc) =	sbr.ind lr, $3  }
0x3a: {  	_ = 	snop  }
0x3b: {  	_ = 	snop  }
0x3c: {  	p2 =	seq.s32 s10, $0x1;
	s10 =	sld [smem:$0x3FAB]  }
0x3d: {  	_ =	shalt  }
0x3e: {  	_ =	shalt  }
0x3f: {  	_ =	shalt  }
0x40: {  	_ =	shalt  }
0x41: {  	_ =	shalt  }
0x42: {  	_ =	shalt  }
0x43: {  	_ =	shalt  }
0x44: {  	_ =	shalt  }
0x45: {  	_ =	shalt  }
0x46: {  	_ =	shalt  }
0x47: {  	_ =	shalt  }
0x48: {  	_ =	shalt  }
0x49: {  	_ =	shalt  }
0x4a: {  	_ =	shalt  }
0x4b: {  	_ =	shalt  }
0x4c: {  	_ =	shalt  }
0x4d: {  	_ =	shalt  }
0x4e: {  	_ =	shalt  }
0x4f: {  	_ =	shalt  }
0x50: {  	_ =	shalt  }
0x51: {  	_ =	shalt  }
0x52: {  	_ =	shalt  }
0x53: {  	_ =	shalt  }
0x54: {  	_ =	shalt  }
0x55: {  	_ =	shalt  }
0x56: {  	_ =	shalt  }
0x57: {  	_ =	shalt  }
0x58: {  	_ =	shalt  }
0x59: {  	_ =	shalt  }
0x5a: {  	_ =	shalt  }
0x5b: {  	_ =	shalt  }
0x5c: {  	_ =	shalt  }
0x5d: {  	_ =	shalt  }
0x5e: {  	_ =	shalt  }
0x5f: {  	_ =	shalt  }
0x60: {  	_ =	shalt  }
0x61: {  	_ =	shalt  }
0x62: {  	_ =	shalt  }
0x63: {  	_ =	shalt  }
0x64: {  	_ =	shalt  }
0x65: {  	_ =	shalt  }
0x66: {  	_ =	shalt  }
0x67: {  	_ =	shalt  }
0x68: {  	_ =	shalt  }
0x69: {  	_ =	shalt  }
0x6a: {  	_ =	shalt  }
0x6b: {  	_ =	shalt  }
0x6c: {  	_ =	shalt  }
0x6d: {  	_ =	shalt  }
0x6e: {  	_ =	shalt  }
0x6f: {  	_ =	shalt  }
0x70: {  	_ =	shalt  }
0x71: {  	_ =	shalt  }
0x72: {  	_ =	shalt  }
0x73: {  	_ =	shalt  }
0x74: {  	_ =	shalt  }
0x75: {  	_ =	shalt  }
0x76: {  	_ =	shalt  }
0x77: {  	_ =	shalt  }
0x78: {  	_ =	shalt  }
0x79: {  	_ =	shalt  }
0x7a: {  	_ =	shalt  }
0x7b: {  	_ =	shalt  }
0x7c: {  	_ =	shalt  }
0x7d: {  	_ =	shalt  }
0x7e: {  	_ =	shalt  }
0x7f: {  	_ =	shalt  }
0x80: {  	_ =	shalt  }
0x81: {  	_ =	shalt  }
0x82: {  	_ =	shalt  }
0x83: {  	_ =	shalt  }
0x84: {  	_ =	shalt  }
0x85: {  	_ =	shalt  }
0x86: {  	_ =	shalt  }
0x87: {  	_ =	shalt  }
.Lfunc_end0:
.L_simem_size_0:
called_computation_lowered:
.L_overlay_start_0:
0x88: {  	s2 =	sld [smem:$0x3FD9]  }
0x89: {  	s3 =	sld [smem:$0x3FFE];
	_ =	sdelay $0x1  }
0x8a: {  	s1 =	srdreg.scid  }
0x8b: {  	s0 =	sand.u32 $0x1, s1  }
0x8c: {  	s17 =	sshll.u32 s0, $0xA;
	s2 =	sadd.s32 s3, s2  }
0x8d: {  	s2 =	sadd.s32 s2, s17  }
0x8e: {  	[smem:$0x3FB7] =	sst s2  }
0x8f: {  	_ = 	snop  }
0x90: {  	s2 =	sld [smem:$0x3FD0];
	(tm) =	ssettm $0x1  }
0x91: {  	s18 =	sld [smem:$0x3FFB];
	_ =	sdelay $0x3  }
0x92: {  	_ =	strace s18  }
0x93: {  	s3 =	sld [smem:$0x3FFC];
	_ =	sdelay $0x3  }
0x94: {  	_ =	strace s3  }
0x95: {  	s3 =	sld [smem:$0x3FFD];
	_ =	sdelay $0x3  }
0x96: {  	_ =	strace s3  }
0x97: {  	_ =	strace $0x8FFFFFFF  }
0x98: {  	s19 =	sld [smem:$0x3FDB];
	_ =	sdelay $0x1  }
0x99: {  	s4 =	simm.s32 $_scs_section_size  }
0x9a: {  	s5 =	simm.s32 $_size__tile_overlayer_lowered;
	s6 =	simm.s32 $_tile_overlayer_lowered  }
0x9b: {  	s22 =	simm.s32 $0x1BFF;
	s21 =	sshll.u32 s6, $0x1;
	s3 =	sadd.s32 s4, s19  }
0x9c: {  	s7 =	simm.s32 $0x0;
	s20 =	sshll.u32 s5, $0x1;
	s5 =	sadd.s32 s21, s3  }
0x9d: {  	[timem:s7], [sflag:s22] =	dma.local [hbm:s5], s20  }
0x9e: {  	_ =	swait.ge [sflag:s22], s20  }
0x9f: {  	s4 =	ssub.s32 $0x0, s20;
	[sflag:s22] =	ssyncset.done $0x0  }
0xa0: {  	[sflag:s22] =	ssyncadd.s32 s4;
	_ =	sdelay $0x1  }
0xa1: {  	s23 =	simm.s32 $0x1B8B  }
0xa2: {  	_ =	swait.ge [sflag:s23], $0x1  }
0xa3: {  	[sflag:s23] =	ssyncset.done $0x0  }
0xa4: {  	s25 =	simm.s32 $0x1B8E;
	s24 =	sld [smem:$0x3FFE];
	[sflag:s23] =	ssyncadd.s32 $0xFFFFFFFF  }
0xa5: {  	s26 =	simm.s32 $execute0_lowered;
	[smem:$0x3FD2] =	sst s25  }
0xa6: {  	s5 =	sshll.u32 s26, $0x1;
	_ =	strace $0x80000046;
	[dreg:$0x1] =	wrdreg $0xFFFFFFFF  }
0xa7: {  	s28 =	simm.s32 $_size_execute0_lowered;
	s3 =	sadd.s32 s3, s5;
	[dreg:$0x0] =	wrdreg $0x0  }
0xa8: {  	s5 =	sshll.u32 s28, $0x1;
	[dreg:$0x2] =	wrdreg s3  }
0xa9: {  	[dreg:$0x3] =	wrdreg s5  }
0xaa: {  	[dreg:$0x4] =	wrdreg $0xC0  }
0xab: {  	_ =	task [dreg:s7], $0x5FFFF  }
0xac: {  	[dreg:$0x1] =	wrdreg $0xFFFFFFFF  }
0xad: {  	[dreg:$0x0] =	wrdreg $0x60  }
0xae: {  	[dreg:$0x2] =	wrdreg s24  }
0xaf: {  	[dreg:$0x3] =	wrdreg s2  }
0xb0: {  	[dreg:$0x4] =	wrdreg $0x9  }
0xb1: {  	_ =	task.clear_ibuf [dreg:s7], $0x5FFFF;
	_ =	strace $0x90000046  }
0xb2: {  	s29 =	simm.s32 $0x9;
	_ =	strace $0x80000048  }
0xb3: {  	_ =	swait.ge [sflag:s29], $0x1  }
0xb4: {  	[sflag:s29] =	ssyncadd.s32 $0xFFFFFFFF  }
0xb5: {  	_ =	strace $0x90000048  }
0xb6: {  	_ =	sfence  }
0xb7: {  	s30 =	sld [smem:$0x0];
	_ =	sdelay $0x2  }
0xb8: {  	s31 =	sshll.u32 s1, $0xD;
	s1 =	sshrl.u32 s1, $0x2  }
0xb9: {  	s3 =	sand.u32 $0x4000, s31;
	s1 =	sadd.s32 s1, s30  }
0xba: {  	s0 =	sor.u32 s3, s0;
	s1 =	sshll.u32 s1, $0x11  }
0xbb: {  	s0 =	sor.u32 s1, s0  }
0xbc: {  	s0 =	sadd.s32 $0x8F2B, s0  }
0xbd: {  	[sflag:s0] =	ssyncadd.remote.s32 $0x1  }
0xbe: {  	_ =	sfence.sel $0xFFFF  }
0xbf: {  	[dreg:$0x0] =	wrdreg $0xFFFFFFFF;
	(pc) =	sbr.abs _section_cstart, $3  }
0xc0: {  	[dreg:$0x1] =	wrdreg $0xFFFFFFFF  }
0xc1: {  	_ =	task.clear_ibuf [dreg:s7], $0x2FFFF;
	_ =	strace $0x9FFFFFFF  }
0xc2: {  	(tm) =	ssettm $0x7FFFFFFF  }
0xc3: {  	_ =	shalt  }
tec
execute0_lowered:
.L_overlay_start_1:
0x0: {  	(tag) =	ssettag $0x1  }
0x1: {  	s1 =	srdreg.scid  }
0x2: {  	s0 =	stileid.u32;
	s18 =	sand.u32 $0x1, s1  }
0x3: {  	s16 =	rddreg [dreg:$0x0];
	s31 =	sshll.u32 s0, $0xA;
	s2 =	sshll.u32 s18, $0x9  }
0x4: {  	s5 =	rddreg [dreg:$0x1];
	s17 =	sor.u32 s2, s31  }
0x5: {  	s1 =	rddreg [dreg:$0x2];
	s2 =	simm.s32 $0x0;
	s6 =	sshrl.u32 s17, $0x3  }
0x6: {  	[smem:$0x7FF] =	sst s2;
	s3 =	sadd.s32 s6, s16  }
0x7: {  	_ =	strace $0x80000047;
	s4 =	sadd.s32 $0x2000, s3;
	s3 =	simm.s32 $0x2  }
0x8: {  	[tilespmem:s2], [sflag:$0x2] =	stream.linear.gather [hbm4b:s4+s2], $0x200, $0x38;
	[tilespmem:$0x8400] =	vst v63  }
0x9: {  	_ =	swait.ge [sflag:s3], $0x200  }
0xa: {  	[sflag:s3] =	ssyncset.done $0x0  }
0xb: {  	s5 =	sadd.s32 s5, s6;
	s6 =	simm.s32 $0x200;
	[sflag:s3] =	ssyncadd.s32 $0xFFFFFE00  }
0xc: {  	[tilespmem:s6], [sflag:$0x2] =	stream.linear.gather [hbm4b:s5+s2], $0x200, $0x38;
	[tilespmem:$0x8400] =	vst v63  }
0xd: {  	_ =	swait.ge [sflag:s3], $0x200  }
0xe: {  	[sflag:s3] =	ssyncset.done $0x0  }
0xf: {  	s8 =	simm.s32 $0x400;
	s7 =	sadd.s32 $0xF44400, s16;
	[sflag:s3] =	ssyncadd.s32 $0xFFFFFE00  }
0x10: {  	[tilespmem:s8], [sflag:$0x1] =	stream.indirect.gather [hbm4b:s7+s6], $0x10, s2, s6, $0xb8;
	[tilespmem:$0x8400] =	vst v63  }
0x11: {  	s10 =	simm.s32 $0x2400;
	s9 =	sadd.s32 $0x112CA00, s16  }
0x12: {  	[tilespmem:s10], [sflag:$0x1] =	stream.indirect.gather [hbm4b:s9+s6], $0x10, s2, s6, $0xb8;
	[tilespmem:$0x8400] =	vst v63  }
0x13: {  	s12 =	simm.s32 $0x4400;
	s11 =	sadd.s32 $0x1315000, s16  }
0x14: {  	[tilespmem:s12], [sflag:$0x1] =	stream.indirect.gather [hbm4b:s11+s6], $0x10, s6, s6, $0xb8;
	[tilespmem:$0x8400] =	vst v63  }
0x15: {  	s14 =	simm.s32 $0x6400;
	s15 =	simm.s32 $0x1;
	s13 =	sadd.s32 $0x14FD600, s16  }
0x16: {  	[tilespmem:s14], [sflag:$0x1] =	stream.indirect.gather [hbm4b:s13+s6], $0x10, s6, s6, $0xb8;
	[tilespmem:$0x8400] =	vst v63  }
0x17: {  	_ =	swait.ge [sflag:s15], $0x2000  }
0x18: {  	[sflag:s15] =	ssyncset.done $0x0  }
0x19: {  	[sflag:s15] =	ssyncadd.s32 $0xFFFFE000  }
0x1a: {  	_ =	swait.ge [sflag:s15], $0x2000  }
0x1b: {  	[sflag:s15] =	ssyncset.done $0x0  }
0x1c: {  	[sflag:s15] =	ssyncadd.s32 $0xFFFFE000  }
0x1d: {  	_ =	swait.ge [sflag:s15], $0x2000  }
0x1e: {  	[sflag:s15] =	ssyncset.done $0x0  }
0x1f: {  	[sflag:s15] =	ssyncadd.s32 $0xFFFFE000  }
0x20: {  	s17 =	sshll.u32 s17, $0x1;
	_ =	swait.ge [sflag:s15], $0x2000  }
0x21: {  	s19 =	sadd.s32 s17, s16;
	[sflag:s15] =	ssyncset.done $0x0  }
0x22: {  	s16 =	sadd.s32 $0x2800, s19;
	[sflag:s15] =	ssyncadd.s32 $0xFFFFE000  }
0x23: {  	[hbm4b:s16+s2] =	stream.linear.scatter [tilespmem:s8], [sflag:$0x2], $0x2000, $0x38;
	[tilespmem:$0x8400] =	vst v63  }
0x24: {  	_ =	swait.ge [sflag:s3], $0x2000  }
0x25: {  	[sflag:s3] =	ssyncset.done $0x0  }
0x26: {  	s20 =	ssub.s32 $0x2, s18;
	s17 =	sadd.s32 $0xA800, s19;
	[sflag:s3] =	ssyncadd.s32 $0xFFFFE000  }
0x27: {  	[hbm4b:s17+s2] =	stream.linear.scatter [tilespmem:s10], [sflag:$0x2], $0x2000, $0x38;
	[tilespmem:$0x8400] =	vst v63  }
0x28: {  	s21 =	sshrl.u32 s20, $0x1;
	_ =	swait.ge [sflag:s3], $0x2000  }
0x29: {  	s20 =	ssub.s32 s20, s21;
	[sflag:s3] =	ssyncset.done $0x0  }
0x2a: {  	s20 =	smax.u32 s20, $0x1;
	s18 =	sadd.s32 $0x12800, s19;
	[sflag:s3] =	ssyncadd.s32 $0xFFFFE000  }
0x2b: {  	[hbm4b:s18+s2] =	stream.linear.scatter [tilespmem:s12], [sflag:$0x2], $0x2000, $0x38;
	[tilespmem:$0x8400] =	vst v63  }
0x2c: {  	p0 =	sne.s32 s20, $0x1;
	_ =	swait.ge [sflag:s3], $0x2000  }
.Ltmp0:
0x2d: {  	[sflag:s3] =	ssyncset.done $0x0;
	(pc) =	sbr.rel @!p0 .LBB2_2-.Ltmp0, $4  }
0x2e: {  	s19 =	sadd.s32 $0x1A800, s19;
	[sflag:s3] =	ssyncadd.s32 $0xFFFFE000  }
0x2f: {  	[hbm4b:s19+s2] =	stream.linear.scatter [tilespmem:s14], [sflag:$0x2], $0x2000, $0x38;
	[tilespmem:$0x8400] =	vst v63  }
0x30: {  	_ =	swait.ge [sflag:s3], $0x2000  }
0x31: {  	s20 =	sadd.s32 $0xFFFFFFFF, s20;
	[sflag:s3] =	ssyncset.done $0x0  }
.LBB2_1:
0x32: {  	p0 =	sne.s32 s20, $0x1;
	s20 =	sadd.s32 $0xFFFFFFFF, s20;
	[sflag:s3] =	ssyncadd.s32 $0xFFFFE000  }
0x33: {  	[tilespmem:s2], [sflag:$0x2] =	stream.linear.gather [hbm4b:s4+s2], $0x200, $0x38;
	[tilespmem:$0x8400] =	vst v63  }
0x34: {  	_ =	swait.ge [sflag:s3], $0x200  }
0x35: {  	[sflag:s3] =	ssyncset.done $0x0  }
0x36: {  	[sflag:s3] =	ssyncadd.s32 $0xFFFFFE00  }
0x37: {  	[tilespmem:s6], [sflag:$0x2] =	stream.linear.gather [hbm4b:s5+s2], $0x200, $0x38;
	[tilespmem:$0x8400] =	vst v63  }
0x38: {  	_ =	swait.ge [sflag:s3], $0x200  }
0x39: {  	[sflag:s3] =	ssyncset.done $0x0  }
0x3a: {  	[sflag:s3] =	ssyncadd.s32 $0xFFFFFE00  }
0x3b: {  	[tilespmem:s8], [sflag:$0x1] =	stream.indirect.gather [hbm4b:s7+s6], $0x10, s2, s6, $0xb8;
	[tilespmem:$0x8400] =	vst v63  }
0x3c: {  	_ = 	snop  }
0x3d: {  	[tilespmem:s10], [sflag:$0x1] =	stream.indirect.gather [hbm4b:s9+s6], $0x10, s2, s6, $0xb8;
	[tilespmem:$0x8400] =	vst v63  }
0x3e: {  	_ = 	snop  }
0x3f: {  	[tilespmem:s12], [sflag:$0x1] =	stream.indirect.gather [hbm4b:s11+s6], $0x10, s6, s6, $0xb8;
	[tilespmem:$0x8400] =	vst v63  }
0x40: {  	_ = 	snop  }
0x41: {  	[tilespmem:s14], [sflag:$0x1] =	stream.indirect.gather [hbm4b:s13+s6], $0x10, s6, s6, $0xb8;
	[tilespmem:$0x8400] =	vst v63  }
0x42: {  	_ =	swait.ge [sflag:s15], $0x2000  }
0x43: {  	[sflag:s15] =	ssyncset.done $0x0  }
0x44: {  	[sflag:s15] =	ssyncadd.s32 $0xFFFFE000  }
0x45: {  	_ =	swait.ge [sflag:s15], $0x2000  }
0x46: {  	[sflag:s15] =	ssyncset.done $0x0  }
0x47: {  	[sflag:s15] =	ssyncadd.s32 $0xFFFFE000  }
0x48: {  	_ =	swait.ge [sflag:s15], $0x2000  }
0x49: {  	[sflag:s15] =	ssyncset.done $0x0  }
0x4a: {  	[sflag:s15] =	ssyncadd.s32 $0xFFFFE000  }
0x4b: {  	_ =	swait.ge [sflag:s15], $0x2000  }
0x4c: {  	[sflag:s15] =	ssyncset.done $0x0  }
0x4d: {  	[sflag:s15] =	ssyncadd.s32 $0xFFFFE000  }
0x4e: {  	[hbm4b:s16+s2] =	stream.linear.scatter [tilespmem:s8], [sflag:$0x2], $0x2000, $0x38;
	[tilespmem:$0x8400] =	vst v63  }
0x4f: {  	_ =	swait.ge [sflag:s3], $0x2000  }
0x50: {  	[sflag:s3] =	ssyncset.done $0x0  }
0x51: {  	[sflag:s3] =	ssyncadd.s32 $0xFFFFE000  }
0x52: {  	[hbm4b:s17+s2] =	stream.linear.scatter [tilespmem:s10], [sflag:$0x2], $0x2000, $0x38;
	[tilespmem:$0x8400] =	vst v63  }
0x53: {  	_ =	swait.ge [sflag:s3], $0x2000  }
0x54: {  	[sflag:s3] =	ssyncset.done $0x0  }
0x55: {  	[sflag:s3] =	ssyncadd.s32 $0xFFFFE000  }
0x56: {  	[hbm4b:s18+s2] =	stream.linear.scatter [tilespmem:s12], [sflag:$0x2], $0x2000, $0x38;
	[tilespmem:$0x8400] =	vst v63  }
0x57: {  	_ =	swait.ge [sflag:s3], $0x2000  }
.Ltmp1:
0x58: {  	[sflag:s3] =	ssyncset.done $0x0;
	(pc) =	sbr.rel @p0 .LBB2_1-.Ltmp1, $4  }
0x59: {  	[sflag:s3] =	ssyncadd.s32 $0xFFFFE000  }
0x5a: {  	[hbm4b:s19+s2] =	stream.linear.scatter [tilespmem:s14], [sflag:$0x2], $0x2000, $0x38;
	[tilespmem:$0x8400] =	vst v63  }
0x5b: {  	_ =	swait.ge [sflag:s3], $0x2000  }
0x5c: {  	[sflag:s3] =	ssyncset.done $0x0  }
.LBB2_2:
0x5d: {  	[sflag:s3] =	ssyncadd.s32 $0xFFFFE000  }
0x5e: {  	_ =	sfence.sel $0x180000  }
0x5f: {  	[bflag:$0x0] =	sbarrier.arrive $0xFFFF  }
0x60: {  	p0 =	sne.s32 s0, $0x0;
	_ =	strace $0x90000047  }
0x61: {  	s0 =	sadd.s32 @!p0 $0x100000, s1;
	[bflag:$0x2] =	sbarrier.arrive $0xFFFF  }
0x62: {  	[sflag:s0] =	ssyncadd.tile.s32 @!p0 $0x1;
	_ =	shalt  }
.Lfunc_end2:
_tile_overlayer_lowered:
.L_overlay_start_2:
0x63: {  	(tag) =	ssettag $0x2  }
0x64: {  	s0 =	rddreg [dreg:$0x0];
	s2 =	stileid.u32  }
0x65: {  	s1 =	rddreg [dreg:$0x1];
	p0 =	sne.s32 s2, $0x0  }
0x66: {  	s3 =	rddreg [dreg:$0x2];
	[bflag:$0x3] =	sbarrier.arrive $0xFFFF;
	s2 =	simm.s32 @!p0 $0x1C02  }
0x67: {  	[timem:s3], [sflag:s2] =	dma.local @!p0 [hbm:s0], s1  }
0x68: {  	s0 =	simm.s32 @!p0 $0x2  }
0x69: {  	_ =	swait.ge @!p0 [sflag:s0], s1  }
0x6a: {  	s1 =	ssub.s32 @!p0 $0x0, s1;
	[sflag:s0] =	ssyncset.done @!p0 $0x0  }
0x6b: {  	[sflag:s0] =	ssyncadd.s32 @!p0 s1  }
0x6c: {  	[bflag:$0x3] =	sbarrier.arrive $0xFFFF  }
0x6d: {  	_ =	shalt  }

</sc_bundles>
